<compile_context>
chip_gen: v7x
topology: tpu7x:2x2x1
jax: 0.10.2.dev20260603
libtpu: 0.0.44.dev20260713+nightly
codegen_flags: <defaults>
</compile_context>

<pallas_src>
import functools

import jax
import jax.numpy as jnp
import numpy as np
from jax import lax
from jax.experimental import pallas as pl
from jax.experimental.pallas import tpu as pltpu
from jax.experimental.pallas import tpu_sc as plsc

_B = 1024
_D = 64
_C = 16
_K = 25
_MIN_CONF = 0.25
_BIG = 3.0e38

_NW = 32
_RPW = _B // _NW
_L = 16
_NCH = _B // _L


def _d2_body(enc_ref, d2_ref):
    enc = enc_ref[...]
    sq = jnp.sum(enc * enc, axis=1)
    g = jnp.dot(enc, enc.T, preferred_element_type=jnp.float32)
    d2_ref[...] = jnp.maximum(sq[:, None] + sq[None, :] - 2.0 * g, 0.0)


def _xlane(v, op):
    iota = lax.broadcasted_iota(jnp.int32, (_L,), 0)
    for s in (1, 2, 4, 8):
        v = op(v, v[jnp.bitwise_xor(iota, s)])
    return v


def _select_body(d2_hbm, out_hbm, rows_v, thr_v):
    wid = lax.axis_index("s") * 2 + lax.axis_index("c")
    base = wid * _RPW
    pltpu.sync_copy(d2_hbm.at[pl.ds(base, _RPW)], rows_v)

    def per_row(r, _):
        def per_round(_, carry):
            m, thr = carry

            def per_chunk(c, acc):
                acc_min, acc_na = acc
                x = rows_v[r, pl.ds(c * _L, _L)]
                gt = x > m
                acc_min = jnp.minimum(acc_min, jnp.where(gt, x, _BIG))
                acc_na = acc_na + jnp.where(gt, 1, 0)
                return acc_min, acc_na

            acc0 = (jnp.full((_L,), _BIG, jnp.float32),
                    jnp.zeros((_L,), jnp.int32))
            acc_min, acc_na = lax.fori_loop(0, _NCH, per_chunk, acc0)
            mn = _xlane(acc_min, jnp.minimum)
            na = _xlane(acc_na, jnp.add)
            thr = jnp.where(_B - na <= _K, mn, thr)
            return mn, thr

        init = jnp.full((_L,), -1.0, jnp.float32)
        _, thr = lax.fori_loop(0, _K + 1, per_round, (init, init))
        thr_v[r, :] = thr
        return 0

    lax.fori_loop(0, _RPW, per_row, 0)
    pltpu.sync_copy(thr_v, out_hbm.at[pl.ds(base, _RPW)])


def _finish_body(d2_ref, thr_ref, cat_ref, ent_ref, ncomp_ref):
    d2 = d2_ref[...]
    cat = cat_ref[...]
    thresh = jnp.sqrt(thr_ref[...])

    mask = (jnp.sqrt(d2) < thresh).astype(jnp.float32)
    counts = jnp.sum(mask, axis=1)

    cidx = lax.broadcasted_iota(jnp.int32, (_B, _C), 1)
    maxg = jnp.max(cat, axis=1)
    hard = jnp.min(jnp.where(cat == maxg[:, None], cidx, _C), axis=1)
    onehot = (cidx == hard[:, None]).astype(jnp.float32)

    bins = jnp.dot(mask, onehot, preferred_element_type=jnp.float32)
    bins = bins / counts[:, None]
    ent = -jnp.sum(bins * jnp.log(bins + 1e-5), axis=1)
    ent_ref[...] = ent[:, None]

    conf = (maxg >= _MIN_CONF).astype(jnp.float32)
    populated = jnp.sum(onehot * conf[:, None], axis=0)
    ncomp_ref[...] = jnp.sum((populated > 0.0).astype(jnp.float32)).reshape(1, 1)


@functools.partial(
    pl.kernel,
    out_type=jax.ShapeDtypeStruct((_B, _L), jnp.float32),
    mesh=plsc.VectorSubcoreMesh(core_axis_name="c", subcore_axis_name="s"),
    scratch_types=[
        pltpu.VMEM((_RPW, _B), jnp.float32),
        pltpu.VMEM((_RPW, _L), jnp.float32),
    ],
)
def _select_kernel(d2_hbm, out_hbm, rows_v, thr_v):
    _select_body(d2_hbm, out_hbm, rows_v, thr_v)


def kernel(encodings, categorical):
    d2 = pl.pallas_call(
        _d2_body,
        out_shape=jax.ShapeDtypeStruct((_B, _B), jnp.float32),
    )(encodings)
    thr2 = _select_kernel(d2)[:, 0]
    ent, ncomp = pl.pallas_call(
        _finish_body,
        out_shape=[
            jax.ShapeDtypeStruct((_B, 1), jnp.float32),
            jax.ShapeDtypeStruct((1, 1), jnp.float32),
        ],
    )(d2, thr2.reshape(_B, 1), categorical)
    return encodings, ent.reshape(_B), ncomp.reshape(())

# --- scband reference (transcript-rebuilt; emitter-appended) ---
"""Pipeline reference for scband-cluster-overlap-83262236000463 (READ-ONLY COPY).

The authoritative reference and input builder live on the scoring server;
editing this copy changes nothing except your own understanding.
"""

import jax, jax.numpy as jnp
import numpy as np

BATCH_SIZE = 1024
ENCODING_DIM = 64
N_CLUSTERS = 16
K = 25
MIN_CONFIDENCE = 0.25


def setup_inputs(seed: int = 0) -> dict:
    key = jax.random.key(seed)
    k1, k2 = jax.random.split(key)
    encodings = jax.random.normal(k1, (BATCH_SIZE, ENCODING_DIM), dtype=jnp.float32)
    categorical = jax.random.uniform(k2, (BATCH_SIZE, N_CLUSTERS), dtype=jnp.float32)
    return {"encodings": encodings, "categorical": categorical}


def _cluster_overlap(encodings, categorical):
    # hard cluster assignment and confidence
    hard_groups = jnp.argmax(categorical, axis=1)
    max_groups = jnp.max(categorical, axis=1)
    # all-pairs euclidean distances (vectorized form of the per-index map_fn kNN)
    sq = jnp.sum(encodings * encodings, axis=1)
    d2 = sq[:, None] + sq[None, :] - 2.0 * (encodings @ encodings.T)
    dist = jnp.sqrt(jnp.maximum(d2, 0.0))
    # k-th nearest distance per query (tf.sort(distances)[k])
    thresh = jnp.sort(dist, axis=1)[:, K]
    # neighbourhood mask: distances < max_distance (self included, dist=0)
    mask = (dist < thresh[:, None]).astype(jnp.float32)
    counts = jnp.sum(mask, axis=1)
    # shannon entropy of cluster labels within each neighbourhood
    # (tf.math.bincount over gathered labels, vectorized via one-hot)
    onehot = jax.nn.one_hot(hard_groups, N_CLUSTERS, dtype=jnp.float32)
    bins = (mask @ onehot) / counts[:, None]
    neigh_entropy = -jnp.sum(bins * jnp.log(bins + 1e-5), axis=1)
    # number_of_populated_clusters metric: unique hard groups among confident points
    conf = (max_groups >= MIN_CONFIDENCE).astype(jnp.float32)
    populated = jnp.sum(onehot * conf[:, None], axis=0)
    n_components = jnp.sum((populated > 0.0).astype(jnp.float32))
    return encodings, neigh_entropy, n_components


def reference(encodings, categorical):
    out, neigh_entropy, n_components = _cluster_overlap(encodings, categorical)
    # layer is identity on encodings; entropy / n_components are the added metrics+loss terms
    return out, neigh_entropy, n_components

if __name__ == "__main__":
    import jax
    _d = setup_inputs()
    print(jax.jit(kernel)(*tuple(_d.values())))

</pallas_src>

<mosaic_0001>
#map = affine_map<(d0, d1) -> (0, 0)>
module attributes {stable_mosaic.version = 14 : i64} {
  func.func @_select_kernel(%arg0: i32, %arg1: i32, %arg2: memref<1024x1024xf32, #tpu.memory_space<hbm>>, %arg3: memref<1024x16xf32, #tpu.memory_space<hbm>>, %arg4: memref<32x1024xf32, #tpu.memory_space<vmem>>, %arg5: memref<32x16xf32, #tpu.memory_space<vmem>>) attributes {dimension_semantics = [#tpu.dimension_semantics<core_parallel>, #tpu.dimension_semantics<subcore_parallel>], iteration_bounds = array<i64: 2, 16>, scalar_prefetch = 0 : i64, scratch_operands = 2 : i64, tpu.core_type = #tpu.core_type<sc_vector_subcore>, window_params = [{transform_indices = #map}, {transform_indices = #map}]} {
    %mul3A = arith.constant 2 : i32
    %mul3A_0 = arith.muli %arg1, %mul3A : i32
    %add3A = arith.addi %mul3A_0, %arg0 : i32
    %mul3A_1 = arith.constant 32 : i32
    %mul3A_2 = arith.muli %add3A, %mul3A_1 : i32
    "tpu.region"() ({
      %run_scoped3A = tpu.sem_alloc : memref<!tpu.dma_semaphore, #tpu.memory_space<semaphore_mem>>
      %dma_start3A = arith.constant 0 : i32
      %dma_start3A_9 = tpu.memref_slice %arg2[%mul3A_2, %dma_start3A] : memref<1024x1024xf32, #tpu.memory_space<hbm>> -> memref<32x1024xf32, #tpu.memory_space<hbm>>
      %dma_start3A_10 = arith.constant 0 : i32
      %dma_start3A_11 = tpu.memref_slice %arg2[%mul3A_2, %dma_start3A_10] : memref<1024x1024xf32, #tpu.memory_space<hbm>> -> memref<32x1024xf32, #tpu.memory_space<hbm>>
      tpu.enqueue_dma source(%dma_start3A_11 : memref<32x1024xf32, #tpu.memory_space<hbm>>) target(%arg4 : memref<32x1024xf32, #tpu.memory_space<vmem>>) target_semaphore(%run_scoped3A : memref<!tpu.dma_semaphore, #tpu.memory_space<semaphore_mem>>)
      %dma_wait3A = arith.constant 0 : i32
      %dma_wait3A_12 = tpu.memref_slice %arg2[%mul3A_2, %dma_wait3A] : memref<1024x1024xf32, #tpu.memory_space<hbm>> -> memref<32x1024xf32, #tpu.memory_space<hbm>>
      %dma_wait3A_13 = arith.constant 0 : i32
      %dma_wait3A_14 = tpu.memref_slice %arg2[%mul3A_2, %dma_wait3A_13] : memref<1024x1024xf32, #tpu.memory_space<hbm>> -> memref<32x1024xf32, #tpu.memory_space<hbm>>
      tpu.wait_dma2 semaphore(%run_scoped3A : memref<!tpu.dma_semaphore, #tpu.memory_space<semaphore_mem>>) src(%dma_wait3A_14 : memref<32x1024xf32, #tpu.memory_space<hbm>>) dst(%arg4 : memref<32x1024xf32, #tpu.memory_space<vmem>>)
      tpu.yield
    }) : () -> ()
    %scan3A = arith.constant 0 : i32
    %scan3A_3 = arith.constant 0 : i32
    %scan3A_4 = arith.constant 32 : i32
    %scan3A_5 = arith.addi %scan3A_3, %scan3A_4 : i32
    %scan3A_6 = arith.constant 1 : i32
    %scan3A_7 = scf.for %scan3A_9 = %scan3A_3 to %scan3A_5 step %scan3A_6 iter_args(%scan3A_10 = %scan3A) -> (i32)  : i32 {
      %broadcast_in_dim3A = arith.constant -1.000000e+00 : f32
      %broadcast_in_dim3A_11 = vector.broadcast %broadcast_in_dim3A : f32 to vector<16xf32>
      %scan3A_12 = arith.constant 0 : i32
      %scan3A_13 = arith.constant 26 : i32
      %scan3A_14 = arith.addi %scan3A_12, %scan3A_13 : i32
      %scan3A_15 = arith.constant 1 : i32
      %scan3A_16:2 = scf.for %scan3A_23 = %scan3A_12 to %scan3A_14 step %scan3A_15 iter_args(%scan3A_24 = %broadcast_in_dim3A_11, %scan3A_25 = %broadcast_in_dim3A_11) -> (vector<16xf32>, vector<16xf32>)  : i32 {
        %broadcast_in_dim3A_26 = arith.constant 3.000000e+38 : f32
        %broadcast_in_dim3A_27 = vector.broadcast %broadcast_in_dim3A_26 : f32 to vector<16xf32>
        %broadcast_in_dim3A_28 = arith.constant 0 : i32
        %broadcast_in_dim3A_29 = vector.broadcast %broadcast_in_dim3A_28 : i32 to vector<16xi32>
        %scan3A_30 = arith.constant 0 : i32
        %scan3A_31 = arith.constant 64 : i32
        %scan3A_32 = arith.addi %scan3A_30, %scan3A_31 : i32
        %scan3A_33 = arith.constant 1 : i32
        %scan3A_34:2 = scf.for %scan3A_149 = %scan3A_30 to %scan3A_32 step %scan3A_33 iter_args(%scan3A_150 = %broadcast_in_dim3A_27, %scan3A_151 = %broadcast_in_dim3A_29) -> (vector<16xf32>, vector<16xi32>)  : i32 {
          %mul3A_152 = arith.constant 16 : i32
          %mul3A_153 = arith.muli %scan3A_149, %mul3A_152 : i32
          %get3A = arith.index_cast %scan3A_9 : i32 to index
          %get3A_154 = arith.index_cast %mul3A_153 : i32 to index
          %get3A_155 = tpu.vector_load %arg4[%get3A, %get3A_154] {strides = array<i32>} : memref<32x1024xf32, #tpu.memory_space<vmem>>, vector<1x16xf32>,
          %get3A_156 = vector.shape_cast %get3A_155 : vector<1x16xf32> to vector<16xf32>
          %gt3A = arith.cmpf ogt, %get3A_156, %scan3A_24 : vector<16xf32>
          %jit3A = arith.constant 3.000000e+38 : f32
          %broadcast_in_dim3A_157 = vector.broadcast %jit3A : f32 to vector<16xf32>
          %select_n3A_158 = arith.select %gt3A, %get3A_156, %broadcast_in_dim3A_157 : vector<16xi1>, vector<16xf32>
          %min3A_159 = arith.minimumf %scan3A_150, %select_n3A_158 : vector<16xf32>
          %jit3A_160 = arith.constant 1 : i32
          %jit3A_161 = arith.constant 0 : i32
          %broadcast_in_dim3A_162 = vector.broadcast %jit3A_160 : i32 to vector<16xi32>
          %broadcast_in_dim3A_163 = vector.broadcast %jit3A_161 : i32 to vector<16xi32>
          %select_n3A_164 = arith.select %gt3A, %broadcast_in_dim3A_162, %broadcast_in_dim3A_163 : vector<16xi1>, vector<16xi32>
          %add3A_165 = arith.addi %scan3A_151, %select_n3A_164 : vector<16xi32>
          scf.yield %min3A_159, %add3A_165 : vector<16xf32>, vector<16xi32>
        }
        %scan3A_35 = arith.constant 64 : i32
        %iota3A = tpu.iota {dimensions = array<i32: 0>} : vector<16xi32>
        %xor3A = arith.constant 1 : i32
        %xor3A_36 = vector.broadcast %xor3A : i32 to vector<16xi32>
        %xor3A_37 = arith.xori %iota3A, %xor3A_36 : vector<16xi32>
        %lt3A = arith.constant 0 : i32
        %lt3A_38 = vector.broadcast %lt3A : i32 to vector<16xi32>
        %lt3A_39 = arith.cmpi slt, %xor3A_37, %lt3A_38 : vector<16xi32>
        %add3A_40 = arith.constant 16 : i32
        %add3A_41 = vector.broadcast %add3A_40 : i32 to vector<16xi32>
        %add3A_42 = arith.addi %xor3A_37, %add3A_41 : vector<16xi32>
        %select_n3A = arith.select %lt3A_39, %add3A_42, %xor3A_37 : vector<16xi1>, vector<16xi32>
        %broadcast_in_dim3A_43 = vector.shape_cast %select_n3A : vector<16xi32> to vector<16x1xi32>
        %gather3A = vector.shape_cast %broadcast_in_dim3A_43 : vector<16x1xi32> to vector<16xi32>
        %gather3A_44 = tpu.dynamic_gather %scan3A_34#0[%gather3A] in [0] : vector<16xf32>, vector<16xi32> -> vector<16xf32>
        %min3A = arith.minimumf %scan3A_34#0, %gather3A_44 : vector<16xf32>
        %xor3A_45 = arith.constant 2 : i32
        %xor3A_46 = vector.broadcast %xor3A_45 : i32 to vector<16xi32>
        %xor3A_47 = arith.xori %iota3A, %xor3A_46 : vector<16xi32>
        %lt3A_48 = arith.constant 0 : i32
        %lt3A_49 = vector.broadcast %lt3A_48 : i32 to vector<16xi32>
        %lt3A_50 = arith.cmpi slt, %xor3A_47, %lt3A_49 : vector<16xi32>
        %add3A_51 = arith.constant 16 : i32
        %add3A_52 = vector.broadcast %add3A_51 : i32 to vector<16xi32>
        %add3A_53 = arith.addi %xor3A_47, %add3A_52 : vector<16xi32>
        %select_n3A_54 = arith.select %lt3A_50, %add3A_53, %xor3A_47 : vector<16xi1>, vector<16xi32>
        %broadcast_in_dim3A_55 = vector.shape_cast %select_n3A_54 : vector<16xi32> to vector<16x1xi32>
        %gather3A_56 = vector.shape_cast %broadcast_in_dim3A_55 : vector<16x1xi32> to vector<16xi32>
        %gather3A_57 = tpu.dynamic_gather %min3A[%gather3A_56] in [0] : vector<16xf32>, vector<16xi32> -> vector<16xf32>
        %min3A_58 = arith.minimumf %min3A, %gather3A_57 : vector<16xf32>
        %xor3A_59 = arith.constant 4 : i32
        %xor3A_60 = vector.broadcast %xor3A_59 : i32 to vector<16xi32>
        %xor3A_61 = arith.xori %iota3A, %xor3A_60 : vector<16xi32>
        %lt3A_62 = arith.constant 0 : i32
        %lt3A_63 = vector.broadcast %lt3A_62 : i32 to vector<16xi32>
        %lt3A_64 = arith.cmpi slt, %xor3A_61, %lt3A_63 : vector<16xi32>
        %add3A_65 = arith.constant 16 : i32
        %add3A_66 = vector.broadcast %add3A_65 : i32 to vector<16xi32>
        %add3A_67 = arith.addi %xor3A_61, %add3A_66 : vector<16xi32>
        %select_n3A_68 = arith.select %lt3A_64, %add3A_67, %xor3A_61 : vector<16xi1>, vector<16xi32>
        %broadcast_in_dim3A_69 = vector.shape_cast %select_n3A_68 : vector<16xi32> to vector<16x1xi32>
        %gather3A_70 = vector.shape_cast %broadcast_in_dim3A_69 : vector<16x1xi32> to vector<16xi32>
        %gather3A_71 = tpu.dynamic_gather %min3A_58[%gather3A_70] in [0] : vector<16xf32>, vector<16xi32> -> vector<16xf32>
        %min3A_72 = arith.minimumf %min3A_58, %gather3A_71 : vector<16xf32>
        %xor3A_73 = arith.constant 8 : i32
        %xor3A_74 = vector.broadcast %xor3A_73 : i32 to vector<16xi32>
        %xor3A_75 = arith.xori %iota3A, %xor3A_74 : vector<16xi32>
        %lt3A_76 = arith.constant 0 : i32
        %lt3A_77 = vector.broadcast %lt3A_76 : i32 to vector<16xi32>
        %lt3A_78 = arith.cmpi slt, %xor3A_75, %lt3A_77 : vector<16xi32>
        %add3A_79 = arith.constant 16 : i32
        %add3A_80 = vector.broadcast %add3A_79 : i32 to vector<16xi32>
        %add3A_81 = arith.addi %xor3A_75, %add3A_80 : vector<16xi32>
        %select_n3A_82 = arith.select %lt3A_78, %add3A_81, %xor3A_75 : vector<16xi1>, vector<16xi32>
        %broadcast_in_dim3A_83 = vector.shape_cast %select_n3A_82 : vector<16xi32> to vector<16x1xi32>
        %gather3A_84 = vector.shape_cast %broadcast_in_dim3A_83 : vector<16x1xi32> to vector<16xi32>
        %gather3A_85 = tpu.dynamic_gather %min3A_72[%gather3A_84] in [0] : vector<16xf32>, vector<16xi32> -> vector<16xf32>
        %min3A_86 = arith.minimumf %min3A_72, %gather3A_85 : vector<16xf32>
        %iota3A_87 = tpu.iota {dimensions = array<i32: 0>} : vector<16xi32>
        %xor3A_88 = arith.constant 1 : i32
        %xor3A_89 = vector.broadcast %xor3A_88 : i32 to vector<16xi32>
        %xor3A_90 = arith.xori %iota3A_87, %xor3A_89 : vector<16xi32>
        %lt3A_91 = arith.constant 0 : i32
        %lt3A_92 = vector.broadcast %lt3A_91 : i32 to vector<16xi32>
        %lt3A_93 = arith.cmpi slt, %xor3A_90, %lt3A_92 : vector<16xi32>
        %add3A_94 = arith.constant 16 : i32
        %add3A_95 = vector.broadcast %add3A_94 : i32 to vector<16xi32>
        %add3A_96 = arith.addi %xor3A_90, %add3A_95 : vector<16xi32>
        %select_n3A_97 = arith.select %lt3A_93, %add3A_96, %xor3A_90 : vector<16xi1>, vector<16xi32>
        %broadcast_in_dim3A_98 = vector.shape_cast %select_n3A_97 : vector<16xi32> to vector<16x1xi32>
        %gather3A_99 = vector.shape_cast %broadcast_in_dim3A_98 : vector<16x1xi32> to vector<16xi32>
        %gather3A_100 = tpu.dynamic_gather %scan3A_34#1[%gather3A_99] in [0] : vector<16xi32>, vector<16xi32> -> vector<16xi32>
        %add3A_101 = arith.addi %scan3A_34#1, %gather3A_100 : vector<16xi32>
        %xor3A_102 = arith.constant 2 : i32
        %xor3A_103 = vector.broadcast %xor3A_102 : i32 to vector<16xi32>
        %xor3A_104 = arith.xori %iota3A_87, %xor3A_103 : vector<16xi32>
        %lt3A_105 = arith.constant 0 : i32
        %lt3A_106 = vector.broadcast %lt3A_105 : i32 to vector<16xi32>
        %lt3A_107 = arith.cmpi slt, %xor3A_104, %lt3A_106 : vector<16xi32>
        %add3A_108 = arith.constant 16 : i32
        %add3A_109 = vector.broadcast %add3A_108 : i32 to vector<16xi32>
        %add3A_110 = arith.addi %xor3A_104, %add3A_109 : vector<16xi32>
        %select_n3A_111 = arith.select %lt3A_107, %add3A_110, %xor3A_104 : vector<16xi1>, vector<16xi32>
        %broadcast_in_dim3A_112 = vector.shape_cast %select_n3A_111 : vector<16xi32> to vector<16x1xi32>
        %gather3A_113 = vector.shape_cast %broadcast_in_dim3A_112 : vector<16x1xi32> to vector<16xi32>
        %gather3A_114 = tpu.dynamic_gather %add3A_101[%gather3A_113] in [0] : vector<16xi32>, vector<16xi32> -> vector<16xi32>
        %add3A_115 = arith.addi %add3A_101, %gather3A_114 : vector<16xi32>
        %xor3A_116 = arith.constant 4 : i32
        %xor3A_117 = vector.broadcast %xor3A_116 : i32 to vector<16xi32>
        %xor3A_118 = arith.xori %iota3A_87, %xor3A_117 : vector<16xi32>
        %lt3A_119 = arith.constant 0 : i32
        %lt3A_120 = vector.broadcast %lt3A_119 : i32 to vector<16xi32>
        %lt3A_121 = arith.cmpi slt, %xor3A_118, %lt3A_120 : vector<16xi32>
        %add3A_122 = arith.constant 16 : i32
        %add3A_123 = vector.broadcast %add3A_122 : i32 to vector<16xi32>
        %add3A_124 = arith.addi %xor3A_118, %add3A_123 : vector<16xi32>
        %select_n3A_125 = arith.select %lt3A_121, %add3A_124, %xor3A_118 : vector<16xi1>, vector<16xi32>
        %broadcast_in_dim3A_126 = vector.shape_cast %select_n3A_125 : vector<16xi32> to vector<16x1xi32>
        %gather3A_127 = vector.shape_cast %broadcast_in_dim3A_126 : vector<16x1xi32> to vector<16xi32>
        %gather3A_128 = tpu.dynamic_gather %add3A_115[%gather3A_127] in [0] : vector<16xi32>, vector<16xi32> -> vector<16xi32>
        %add3A_129 = arith.addi %add3A_115, %gather3A_128 : vector<16xi32>
        %xor3A_130 = arith.constant 8 : i32
        %xor3A_131 = vector.broadcast %xor3A_130 : i32 to vector<16xi32>
        %xor3A_132 = arith.xori %iota3A_87, %xor3A_131 : vector<16xi32>
        %lt3A_133 = arith.constant 0 : i32
        %lt3A_134 = vector.broadcast %lt3A_133 : i32 to vector<16xi32>
        %lt3A_135 = arith.cmpi slt, %xor3A_132, %lt3A_134 : vector<16xi32>
        %add3A_136 = arith.constant 16 : i32
        %add3A_137 = vector.broadcast %add3A_136 : i32 to vector<16xi32>
        %add3A_138 = arith.addi %xor3A_132, %add3A_137 : vector<16xi32>
        %select_n3A_139 = arith.select %lt3A_135, %add3A_138, %xor3A_132 : vector<16xi1>, vector<16xi32>
        %broadcast_in_dim3A_140 = vector.shape_cast %select_n3A_139 : vector<16xi32> to vector<16x1xi32>
        %gather3A_141 = vector.shape_cast %broadcast_in_dim3A_140 : vector<16x1xi32> to vector<16xi32>
        %gather3A_142 = tpu.dynamic_gather %add3A_129[%gather3A_141] in [0] : vector<16xi32>, vector<16xi32> -> vector<16xi32>
        %add3A_143 = arith.addi %add3A_129, %gather3A_142 : vector<16xi32>
        %sub3A = arith.constant 1024 : i32
        %sub3A_144 = vector.broadcast %sub3A : i32 to vector<16xi32>
        %sub3A_145 = arith.subi %sub3A_144, %add3A_143 : vector<16xi32>
        %le3A = arith.constant 25 : i32
        %le3A_146 = vector.broadcast %le3A : i32 to vector<16xi32>
        %le3A_147 = arith.cmpi sle, %sub3A_145, %le3A_146 : vector<16xi32>
        %select_n3A_148 = arith.select %le3A_147, %min3A_86, %scan3A_25 : vector<16xi1>, vector<16xf32>
        scf.yield %min3A_86, %select_n3A_148 : vector<16xf32>, vector<16xf32>
      }
      %scan3A_17 = arith.constant 26 : i32
      %swap3A = arith.index_cast %scan3A_9 : i32 to index
      %swap3A_18 = arith.constant 0 : index
      %swap3A_19 = tpu.vector_load %arg5[%swap3A, %swap3A_18] {strides = array<i32>} : memref<32x16xf32, #tpu.memory_space<vmem>>, vector<1x16xf32>,
      %swap3A_20 = vector.shape_cast %swap3A_19 : vector<1x16xf32> to vector<16xf32>
      %swap3A_21 = vector.shape_cast %scan3A_16#1 : vector<16xf32> to vector<1x16xf32>
      tpu.vector_store %arg5[%swap3A, %swap3A_18], %swap3A_21 {strides = array<i32>} : memref<32x16xf32, #tpu.memory_space<vmem>>, vector<1x16xf32>,
      %scan3A_22 = arith.constant 0 : i32
      scf.yield %scan3A_22 : i32
    }
    %scan3A_8 = arith.constant 32 : i32
    "tpu.region"() ({
      %run_scoped3A = tpu.sem_alloc : memref<!tpu.dma_semaphore, #tpu.memory_space<semaphore_mem>>
      %dma_start3A = arith.constant 0 : i32
      %dma_start3A_9 = tpu.memref_slice %arg3[%mul3A_2, %dma_start3A] : memref<1024x16xf32, #tpu.memory_space<hbm>> -> memref<32x16xf32, #tpu.memory_space<hbm>>
      %dma_start3A_10 = arith.constant 0 : i32
      %dma_start3A_11 = tpu.memref_slice %arg3[%mul3A_2, %dma_start3A_10] : memref<1024x16xf32, #tpu.memory_space<hbm>> -> memref<32x16xf32, #tpu.memory_space<hbm>>
      tpu.enqueue_dma source(%arg5 : memref<32x16xf32, #tpu.memory_space<vmem>>) target(%dma_start3A_11 : memref<32x16xf32, #tpu.memory_space<hbm>>) target_semaphore(%run_scoped3A : memref<!tpu.dma_semaphore, #tpu.memory_space<semaphore_mem>>)
      %dma_wait3A = arith.constant 0 : i32
      %dma_wait3A_12 = tpu.memref_slice %arg3[%mul3A_2, %dma_wait3A] : memref<1024x16xf32, #tpu.memory_space<hbm>> -> memref<32x16xf32, #tpu.memory_space<hbm>>
      %dma_wait3A_13 = arith.constant 0 : i32
      %dma_wait3A_14 = tpu.memref_slice %arg3[%mul3A_2, %dma_wait3A_13] : memref<1024x16xf32, #tpu.memory_space<hbm>> -> memref<32x16xf32, #tpu.memory_space<hbm>>
      tpu.wait_dma2 semaphore(%run_scoped3A : memref<!tpu.dma_semaphore, #tpu.memory_space<semaphore_mem>>) src(%arg5 : memref<32x16xf32, #tpu.memory_space<vmem>>) dst(%dma_wait3A_14 : memref<32x16xf32, #tpu.memory_space<hbm>>)
      tpu.yield
    }) : () -> ()
    return
  }
}

module attributes {stable_mosaic.version = 14 : i64} {
  func.func @_d2_body(%arg0: memref<1024x64xf32, #tpu.memory_space<vmem>>, %arg1: memref<1024x1024xf32, #tpu.memory_space<vmem>>) attributes {dimension_semantics = [], scalar_prefetch = 0 : i64, scratch_operands = 0 : i64, tpu.core_type = #tpu.core_type<tc>} {
    %get3A = arith.constant 0 : index
    %get3A_0 = arith.constant 0 : index
    %get3A_1 = vector.load %arg0[%get3A, %get3A_0] : memref<1024x64xf32, #tpu.memory_space<vmem>>, vector<1024x64xf32>
    %mul3A = arith.mulf %get3A_1, %get3A_1 : vector<1024x64xf32>
    %reduce_sum3A = arith.constant dense<0.000000e+00> : vector<1024xf32>
    %reduce_sum3A_2 = vector.multi_reduction <add>, %mul3A, %reduce_sum3A [1] : vector<1024x64xf32> to vector<1024xf32>
    %transpose3A = tpu.transpose %get3A_1, [1, 0] : vector<1024x64xf32> -> vector<64x1024xf32>
    %dot_general3A = arith.constant dense<0.000000e+00> : vector<1024x1024xf32>
    %dot_general3A_3 = tpu.matmul %get3A_1, %transpose3A, %dot_general3A {dimension_numbers = #tpu.dot_dimension_numbers<[1], [0], [0], [1], [0, 0, 1, 1], [], []>, transpose_lhs_hint = false} : vector<1024x64xf32>, vector<64x1024xf32>, vector<1024x1024xf32> -> vector<1024x1024xf32>
    %broadcast_in_dim3A = vector.shape_cast %reduce_sum3A_2 : vector<1024xf32> to vector<1024x1xf32>
    %broadcast_in_dim3A_4 = vector.shape_cast %reduce_sum3A_2 : vector<1024xf32> to vector<1x1024xf32>
    %add3A = vector.broadcast %broadcast_in_dim3A : vector<1024x1xf32> to vector<1024x1024xf32>
    %add3A_5 = vector.broadcast %broadcast_in_dim3A_4 : vector<1x1024xf32> to vector<1024x1024xf32>
    %add3A_6 = arith.addf %add3A, %add3A_5 : vector<1024x1024xf32>
    %mul3A_7 = arith.constant 2.000000e+00 : f32
    %mul3A_8 = vector.broadcast %mul3A_7 : f32 to vector<1024x1024xf32>
    %mul3A_9 = arith.mulf %mul3A_8, %dot_general3A_3 : vector<1024x1024xf32>
    %sub3A = arith.subf %add3A_6, %mul3A_9 : vector<1024x1024xf32>
    %max3A = arith.constant 0.000000e+00 : f32
    %max3A_10 = vector.broadcast %max3A : f32 to vector<1024x1024xf32>
    %max3A_11 = arith.maximumf %sub3A, %max3A_10 : vector<1024x1024xf32>
    %swap3A = arith.constant 0 : index
    %swap3A_12 = arith.constant 0 : index
    %swap3A_13 = vector.load %arg1[%swap3A, %swap3A_12] : memref<1024x1024xf32, #tpu.memory_space<vmem>>, vector<1024x1024xf32>
    tpu.vector_store %arg1[%swap3A, %swap3A_12], %max3A_11 {strides = array<i32>} : memref<1024x1024xf32, #tpu.memory_space<vmem>>, vector<1024x1024xf32>,
    return
  }
}

module attributes {stable_mosaic.version = 14 : i64} {
  func.func @_finish_body(%arg0: memref<1024x1024xf32, #tpu.memory_space<vmem>>, %arg1: memref<1024x1xf32, #tpu.memory_space<vmem>>, %arg2: memref<1024x16xf32, #tpu.memory_space<vmem>>, %arg3: memref<1024x1xf32, #tpu.memory_space<vmem>>, %arg4: memref<1x1xf32, #tpu.memory_space<vmem>>) attributes {dimension_semantics = [], scalar_prefetch = 0 : i64, scratch_operands = 0 : i64, tpu.core_type = #tpu.core_type<tc>} {
    %get3A = arith.constant 0 : index
    %get3A_0 = arith.constant 0 : index
    %get3A_1 = vector.load %arg0[%get3A, %get3A_0] : memref<1024x1024xf32, #tpu.memory_space<vmem>>, vector<1024x1024xf32>
    %get3A_2 = arith.constant 0 : index
    %get3A_3 = arith.constant 0 : index
    %get3A_4 = vector.load %arg2[%get3A_2, %get3A_3] : memref<1024x16xf32, #tpu.memory_space<vmem>>, vector<1024x16xf32>
    %get3A_5 = arith.constant 0 : index
    %get3A_6 = arith.constant 0 : index
    %get3A_7 = vector.load %arg1[%get3A_5, %get3A_6] : memref<1024x1xf32, #tpu.memory_space<vmem>>, vector<1024x1xf32>
    %sqrt3A = math.sqrt %get3A_7 : vector<1024x1xf32>
    %sqrt3A_8 = math.sqrt %get3A_1 : vector<1024x1024xf32>
    %lt3A = vector.broadcast %sqrt3A : vector<1024x1xf32> to vector<1024x1024xf32>
    %lt3A_9 = arith.cmpf olt, %sqrt3A_8, %lt3A : vector<1024x1024xf32>
    %convert_element_type3A = arith.extui %lt3A_9 : vector<1024x1024xi1> to vector<1024x1024xi32>
    %convert_element_type3A_10 = arith.sitofp %convert_element_type3A : vector<1024x1024xi32> to vector<1024x1024xf32>
    %reduce_sum3A = arith.constant dense<0.000000e+00> : vector<1024xf32>
    %reduce_sum3A_11 = vector.multi_reduction <add>, %convert_element_type3A_10, %reduce_sum3A [1] : vector<1024x1024xf32> to vector<1024xf32>
    %iota3A = tpu.iota {dimensions = array<i32: 1>} : vector<1024x16xi32>
    %reduce_max3A = arith.constant dense<0xFF800000> : vector<1024xf32>
    %reduce_max3A_12 = vector.multi_reduction <maximumf>, %get3A_4, %reduce_max3A [1] : vector<1024x16xf32> to vector<1024xf32>
    %broadcast_in_dim3A = vector.shape_cast %reduce_max3A_12 : vector<1024xf32> to vector<1024x1xf32>
    %eq3A = vector.broadcast %broadcast_in_dim3A : vector<1024x1xf32> to vector<1024x16xf32>
    %eq3A_13 = arith.cmpf oeq, %get3A_4, %eq3A : vector<1024x16xf32>
    %jit3A = arith.constant 16 : i32
    %broadcast_in_dim3A_14 = vector.broadcast %jit3A : i32 to vector<1024x16xi32>
    %select_n3A = arith.select %eq3A_13, %iota3A, %broadcast_in_dim3A_14 : vector<1024x16xi1>, vector<1024x16xi32>
    %reduce_min3A = arith.constant dense<2147483647> : vector<1024xi32>
    %reduce_min3A_15 = vector.multi_reduction <minsi>, %select_n3A, %reduce_min3A [1] : vector<1024x16xi32> to vector<1024xi32>
    %broadcast_in_dim3A_16 = vector.shape_cast %reduce_min3A_15 : vector<1024xi32> to vector<1024x1xi32>
    %eq3A_17 = vector.broadcast %broadcast_in_dim3A_16 : vector<1024x1xi32> to vector<1024x16xi32>
    %eq3A_18 = arith.cmpi eq, %iota3A, %eq3A_17 : vector<1024x16xi32>
    %convert_element_type3A_19 = arith.extui %eq3A_18 : vector<1024x16xi1> to vector<1024x16xi32>
    %convert_element_type3A_20 = arith.sitofp %convert_element_type3A_19 : vector<1024x16xi32> to vector<1024x16xf32>
    %dot_general3A = arith.constant dense<0.000000e+00> : vector<1024x16xf32>
    %dot_general3A_21 = tpu.matmul %convert_element_type3A_10, %convert_element_type3A_20, %dot_general3A {dimension_numbers = #tpu.dot_dimension_numbers<[1], [0], [0], [1], [0, 0, 1, 1], [], []>, transpose_lhs_hint = false} : vector<1024x1024xf32>, vector<1024x16xf32>, vector<1024x16xf32> -> vector<1024x16xf32>
    %broadcast_in_dim3A_22 = vector.shape_cast %reduce_sum3A_11 : vector<1024xf32> to vector<1024x1xf32>
    %div3A = vector.broadcast %broadcast_in_dim3A_22 : vector<1024x1xf32> to vector<1024x16xf32>
    %div3A_23 = arith.divf %dot_general3A_21, %div3A : vector<1024x16xf32>
    %add3A = arith.constant 9.99999974E-6 : f32
    %add3A_24 = vector.broadcast %add3A : f32 to vector<1024x16xf32>
    %add3A_25 = arith.addf %div3A_23, %add3A_24 : vector<1024x16xf32>
    %log3A = math.log %add3A_25 : vector<1024x16xf32>
    %mul3A = arith.mulf %div3A_23, %log3A : vector<1024x16xf32>
    %reduce_sum3A_26 = arith.constant dense<0.000000e+00> : vector<1024xf32>
    %reduce_sum3A_27 = vector.multi_reduction <add>, %mul3A, %reduce_sum3A_26 [1] : vector<1024x16xf32> to vector<1024xf32>
    %neg3A = arith.constant 0.000000e+00 : f32
    %neg3A_28 = vector.broadcast %neg3A : f32 to vector<1024xf32>
    %neg3A_29 = arith.subf %neg3A_28, %reduce_sum3A_27 : vector<1024xf32>
    %broadcast_in_dim3A_30 = vector.shape_cast %neg3A_29 : vector<1024xf32> to vector<1024x1xf32>
    %swap3A = arith.constant 0 : index
    %swap3A_31 = arith.constant 0 : index
    %swap3A_32 = vector.load %arg3[%swap3A, %swap3A_31] : memref<1024x1xf32, #tpu.memory_space<vmem>>, vector<1024x1xf32>
    tpu.vector_store %arg3[%swap3A, %swap3A_31], %broadcast_in_dim3A_30 {strides = array<i32>} : memref<1024x1xf32, #tpu.memory_space<vmem>>, vector<1024x1xf32>,
    %ge3A = arith.constant 2.500000e-01 : f32
    %ge3A_33 = vector.broadcast %ge3A : f32 to vector<1024xf32>
    %ge3A_34 = arith.cmpf oge, %reduce_max3A_12, %ge3A_33 : vector<1024xf32>
    %convert_element_type3A_35 = arith.extui %ge3A_34 : vector<1024xi1> to vector<1024xi32>
    %convert_element_type3A_36 = arith.sitofp %convert_element_type3A_35 : vector<1024xi32> to vector<1024xf32>
    %broadcast_in_dim3A_37 = vector.shape_cast %convert_element_type3A_36 : vector<1024xf32> to vector<1024x1xf32>
    %mul3A_38 = vector.broadcast %broadcast_in_dim3A_37 : vector<1024x1xf32> to vector<1024x16xf32>
    %mul3A_39 = arith.mulf %convert_element_type3A_20, %mul3A_38 : vector<1024x16xf32>
    %reduce_sum3A_40 = arith.constant dense<0.000000e+00> : vector<16xf32>
    %reduce_sum3A_41 = vector.multi_reduction <add>, %mul3A_39, %reduce_sum3A_40 [0] : vector<1024x16xf32> to vector<16xf32>
    %gt3A = arith.constant 0.000000e+00 : f32
    %gt3A_42 = vector.broadcast %gt3A : f32 to vector<16xf32>
    %gt3A_43 = arith.cmpf ogt, %reduce_sum3A_41, %gt3A_42 : vector<16xf32>
    %convert_element_type3A_44 = arith.extui %gt3A_43 : vector<16xi1> to vector<16xi32>
    %convert_element_type3A_45 = arith.sitofp %convert_element_type3A_44 : vector<16xi32> to vector<16xf32>
    %reduce_sum3A_46 = vector.shape_cast %convert_element_type3A_45 : vector<16xf32> to vector<1x16xf32>
    %reduce_sum3A_47 = arith.constant dense<0.000000e+00> : vector<1xf32>
    %reduce_sum3A_48 = vector.multi_reduction <add>, %reduce_sum3A_46, %reduce_sum3A_47 [1] : vector<1x16xf32> to vector<1xf32>
    %reduce_sum3A_49 = vector.shape_cast %reduce_sum3A_48 : vector<1xf32> to vector<1x1xf32>
    %reduce_sum3A_50 = vector.extract %reduce_sum3A_49[0, 0] : f32 from vector<1x1xf32>
    %reshape3A = vector.broadcast %reduce_sum3A_50 : f32 to vector<1x1xf32>
    %swap3A_51 = arith.constant 0 : index
    %swap3A_52 = arith.constant 0 : index
    %swap3A_53 = vector.load %arg4[%swap3A_51, %swap3A_52] : memref<1x1xf32, #tpu.memory_space<vmem>>, vector<1x1xf32>
    tpu.vector_store %arg4[%swap3A_51, %swap3A_52], %reshape3A {strides = array<i32>} : memref<1x1xf32, #tpu.memory_space<vmem>>, vector<1x1xf32>,
    return
  }
}

</mosaic_0001>

<sc_bundles>
// kernel: kernel.5.cloned.1.call-start
scs
__scs_entry_jumppad:
0x0: {  	(pc) =	sbr.rel $0x88, $3  }
0x1: {  	(tag) =	ssettag $0x0;
	lr =	simm.s32 $0x1  }
0x2: {  	[smem:$0x3F9F] =	sst lr;
	_ =	strace $0xD0000000  }
0x3: {  	_ = 	snop  }
0x4: {  	_ = 	snop  }
0x5: {  	_ = 	snop  }
0x6: {  	_ = 	snop  }
0x7: {  	_ = 	snop  }
__scs_overlays_trampoline_lowered:
0x8: {  	[smem:$0x3FAE] =	sst s0  }
0x9: {  	[smem:$0x3FAF] =	sst s1  }
0xa: {  	[smem:$0x3FB0] =	sst s2  }
0xb: {  	[smem:$0x3FB1] =	sst s3  }
0xc: {  	[smem:$0x3FB2] =	sst s4  }
0xd: {  	[smem:$0x3FB3] =	sst s5  }
0xe: {  	[smem:$0x3FB4] =	sst s6  }
0xf: {  	[smem:$0x3FB5] =	sst s7  }
0x10: {  	[smem:$0x3FB6] =	sst s8  }
0x11: {  	[smem:$0x3FB7] =	sst s9;
	s0 =	simm.s32 @!p0 $0x0  }
0x12: {  	s1 =	sld [smem:$0x3F9D];
	s0 =	simm.s32 @p0 $0x1  }
0x13: {  	[smem:$0x3FB8] =	sst s0;
	s0 =	simm.s32 @!p1 $0x0  }
0x14: {  	s2 =	sld [smem:$0x3F9C];
	s0 =	simm.s32 @p1 $0x1  }
0x15: {  	[smem:$0x3FB9] =	sst s0;
	s0 =	simm.s32 @!p2 $0x0  }
0x16: {  	s3 =	sld [smem:$0x3FDB];
	s0 =	simm.s32 @p2 $0x1  }
0x17: {  	s4 =	simm.s32 $0x1BF5;
	[smem:$0x3FBB] =	sst s0  }
0x18: {  	s0 =	sld [smem:$0x3F9E];
	_ =	swait.ge [sflag:s4], $0x0  }
0x19: {  	s7 =	sld [smem:$0x3F9F]  }
0x1a: {  	s8 =	sadd.s32 $0xFFFFE003, lr  }
0x1b: {  	s9 =	sadd.s32 $0xFFFFFEF7, lr;
	s5 =	simm.s32 $0xFFFFFFFF;
	p2 =	slt.u32 s8, $0xFFFFF086  }
0x1c: {  	p1 =	slt.u32 s9, $0xF7A;
	s5 =	simm.s32 @!p2 $0x0  }
0x1d: {  	s5 =	simm.s32 @p1 $0x1;
	p0 =	seq.s32 s7, s2  }
0x1e: {  	s7 =	smul.u32 @!p0 $0xF7A, s2;
	p2 =	seq.s32 @!p0 s5, $0x0  }
0x1f: {  	s9 =	smul.u32 $0xF7A, s1;
	s8 =	simm.s32 @!p0 $0x1BF5;
	p2 =	por !p2, p0  }
0x20: {  	[sflag:s8] =	ssyncset.s32 @!p0 $0xFFFFF086;
	s6 =	sadd.s32 @!p0 s3, s7;
	s7 =	simm.s32 @!p0 $0x108  }
0x21: {  	s3 =	sadd.s32 s3, s9;
	s6 =	sadd.s32 @!p0 $0x88, s6;
	s7 =	simm.s32 @p2 $0x1082  }
0x22: {  	[simem:s7], [sflag:s8] =	dma.local @!p0 [hbm:s6], $0xF7A  }
0x23: {  	s9 =	sor.u32 $0xD0000000, s2;
	s6 =	simm.s32 $0x108;
	_ =	swait.ge @!p0 [sflag:s8], $0x0  }
0x24: {  	s3 =	sadd.s32 $0x88, s3;
	s6 =	simm.s32 @!p1 $0x1082;
	[sflag:s4] =	ssyncset.s32 $0xFFFFF086  }
0x25: {  	[simem:s6], [sflag:s4] =	dma.local [hbm:s3], $0xF7A  }
0x26: {  	[smem:$0x3F9F] =	sst s1;
	(tag) =	ssettag s2;
	_ =	strace s9  }
0x27: {  	s1 =	sld [smem:$0x3FAF]  }
0x28: {  	s2 =	sld [smem:$0x3FB0]  }
0x29: {  	s4 =	sld [smem:$0x3FB2]  }
0x2a: {  	p0 =	seq.s32 s5, $0x0;
	s5 =	sld [smem:$0x3FB3]  }
0x2b: {  	s6 =	sld [smem:$0x3FB4]  }
0x2c: {  	s7 =	sld [smem:$0x3FB5]  }
0x2d: {  	s3 =	simm.s32 $0x108;
	s8 =	sld [smem:$0x3FB6]  }
0x2e: {  	s3 =	simm.s32 @!p0 $0x1082;
	s9 =	sld [smem:$0x3FB7]  }
0x2f: {  	lr =	sadd.s32 s0, s3;
	s0 =	sld [smem:$0x3FAE]  }
0x30: {  	s3 =	sld [smem:$0x3FB1]  }
0x31: {  	[smem:$0x3FBA] =	sst s10  }
0x32: {  	s10 =	sld [smem:$0x3FB8];
	_ =	sdelay $0x3  }
0x33: {  	p0 =	seq.s32 s10, $0x1;
	s10 =	sld [smem:$0x3FBA];
	_ =	sdelay $0x3  }
0x34: {  	[smem:$0x3FBA] =	sst s10  }
0x35: {  	s10 =	sld [smem:$0x3FB9];
	_ =	sdelay $0x3  }
0x36: {  	p1 =	seq.s32 s10, $0x1;
	s10 =	sld [smem:$0x3FBA];
	_ =	sdelay $0x3  }
0x37: {  	[smem:$0x3FBA] =	sst s10  }
0x38: {  	s10 =	sld [smem:$0x3FBB]  }
0x39: {  	_ = 	snop;
	(pc) =	sbr.ind lr, $3  }
0x3a: {  	_ = 	snop  }
0x3b: {  	_ = 	snop  }
0x3c: {  	p2 =	seq.s32 s10, $0x1;
	s10 =	sld [smem:$0x3FBA]  }
0x3d: {  	_ =	shalt  }
0x3e: {  	_ =	shalt  }
0x3f: {  	_ =	shalt  }
0x40: {  	_ =	shalt  }
0x41: {  	_ =	shalt  }
0x42: {  	_ =	shalt  }
0x43: {  	_ =	shalt  }
0x44: {  	_ =	shalt  }
0x45: {  	_ =	shalt  }
0x46: {  	_ =	shalt  }
0x47: {  	_ =	shalt  }
0x48: {  	_ =	shalt  }
0x49: {  	_ =	shalt  }
0x4a: {  	_ =	shalt  }
0x4b: {  	_ =	shalt  }
0x4c: {  	_ =	shalt  }
0x4d: {  	_ =	shalt  }
0x4e: {  	_ =	shalt  }
0x4f: {  	_ =	shalt  }
0x50: {  	_ =	shalt  }
0x51: {  	_ =	shalt  }
0x52: {  	_ =	shalt  }
0x53: {  	_ =	shalt  }
0x54: {  	_ =	shalt  }
0x55: {  	_ =	shalt  }
0x56: {  	_ =	shalt  }
0x57: {  	_ =	shalt  }
0x58: {  	_ =	shalt  }
0x59: {  	_ =	shalt  }
0x5a: {  	_ =	shalt  }
0x5b: {  	_ =	shalt  }
0x5c: {  	_ =	shalt  }
0x5d: {  	_ =	shalt  }
0x5e: {  	_ =	shalt  }
0x5f: {  	_ =	shalt  }
0x60: {  	_ =	shalt  }
0x61: {  	_ =	shalt  }
0x62: {  	_ =	shalt  }
0x63: {  	_ =	shalt  }
0x64: {  	_ =	shalt  }
0x65: {  	_ =	shalt  }
0x66: {  	_ =	shalt  }
0x67: {  	_ =	shalt  }
0x68: {  	_ =	shalt  }
0x69: {  	_ =	shalt  }
0x6a: {  	_ =	shalt  }
0x6b: {  	_ =	shalt  }
0x6c: {  	_ =	shalt  }
0x6d: {  	_ =	shalt  }
0x6e: {  	_ =	shalt  }
0x6f: {  	_ =	shalt  }
0x70: {  	_ =	shalt  }
0x71: {  	_ =	shalt  }
0x72: {  	_ =	shalt  }
0x73: {  	_ =	shalt  }
0x74: {  	_ =	shalt  }
0x75: {  	_ =	shalt  }
0x76: {  	_ =	shalt  }
0x77: {  	_ =	shalt  }
0x78: {  	_ =	shalt  }
0x79: {  	_ =	shalt  }
0x7a: {  	_ =	shalt  }
0x7b: {  	_ =	shalt  }
0x7c: {  	_ =	shalt  }
0x7d: {  	_ =	shalt  }
0x7e: {  	_ =	shalt  }
0x7f: {  	_ =	shalt  }
0x80: {  	_ =	shalt  }
0x81: {  	_ =	shalt  }
0x82: {  	_ =	shalt  }
0x83: {  	_ =	shalt  }
0x84: {  	_ =	shalt  }
0x85: {  	_ =	shalt  }
0x86: {  	_ =	shalt  }
0x87: {  	_ =	shalt  }
.Lfunc_end0:
.L_simem_size_0:
called_computation_lowered:
.L_overlay_start_0:
0x88: {  	s2 =	sld [smem:$0x3FD9]  }
0x89: {  	s3 =	sld [smem:$0x3FFE];
	_ =	sdelay $0x1  }
0x8a: {  	s1 =	srdreg.scid  }
0x8b: {  	s0 =	sand.u32 $0x1, s1  }
0x8c: {  	s16 =	sshll.u32 s0, $0xA;
	s2 =	sadd.s32 s3, s2  }
0x8d: {  	s2 =	sadd.s32 s2, s16  }
0x8e: {  	[smem:$0x3FC6] =	sst s2  }
0x8f: {  	_ = 	snop  }
0x90: {  	(tm) =	ssettm $0x1  }
0x91: {  	s17 =	sld [smem:$0x3FFB];
	_ =	sdelay $0x3  }
0x92: {  	_ =	strace s17  }
0x93: {  	s2 =	sld [smem:$0x3FFC];
	_ =	sdelay $0x3  }
0x94: {  	_ =	strace s2  }
0x95: {  	s2 =	sld [smem:$0x3FFD];
	_ =	sdelay $0x3  }
0x96: {  	_ =	strace s2  }
0x97: {  	_ =	strace $0x8FFFFFFF  }
0x98: {  	s18 =	sld [smem:$0x3FDB];
	_ =	sdelay $0x1  }
0x99: {  	s19 =	simm.s32 $_scs_section_size  }
0x9a: {  	s4 =	simm.s32 $_size__tile_overlayer_lowered;
	s5 =	simm.s32 $_tile_overlayer_lowered  }
0x9b: {  	s22 =	simm.s32 $0x1BFF;
	s21 =	sshll.u32 s5, $0x1;
	s2 =	sadd.s32 s19, s18  }
0x9c: {  	s6 =	simm.s32 $0x0;
	s20 =	sshll.u32 s4, $0x1;
	s4 =	sadd.s32 s21, s2  }
0x9d: {  	[timem:s6], [sflag:s22] =	dma.local [hbm:s4], s20  }
0x9e: {  	_ =	swait.ge [sflag:s22], s20  }
0x9f: {  	s3 =	ssub.s32 $0x0, s20;
	[sflag:s22] =	ssyncset.done $0x0  }
0xa0: {  	[sflag:s22] =	ssyncadd.s32 s3;
	_ =	sdelay $0x1  }
0xa1: {  	s23 =	simm.s32 $0x1B8B  }
0xa2: {  	_ =	swait.ge [sflag:s23], $0x1  }
0xa3: {  	[sflag:s23] =	ssyncset.done $0x0  }
0xa4: {  	s25 =	simm.s32 $0x1B8E;
	s24 =	sld [smem:$0x3FFE];
	[sflag:s23] =	ssyncadd.s32 $0xFFFFFFFF  }
0xa5: {  	s26 =	simm.s32 $execute0_lowered;
	[smem:$0x3FD2] =	sst s25  }
0xa6: {  	s4 =	sshll.u32 s26, $0x1;
	_ =	strace $0x80000046;
	[dreg:$0x1] =	wrdreg $0xFFFFFFFF  }
0xa7: {  	s28 =	simm.s32 $_size_execute0_lowered;
	s2 =	sadd.s32 s2, s4;
	[dreg:$0x0] =	wrdreg $0x0  }
0xa8: {  	s4 =	sshll.u32 s28, $0x1;
	[dreg:$0x2] =	wrdreg s2  }
0xa9: {  	[dreg:$0x3] =	wrdreg s4  }
0xaa: {  	[dreg:$0x4] =	wrdreg $0xC0  }
0xab: {  	_ =	task [dreg:s6], $0x5FFFF  }
0xac: {  	[dreg:$0x1] =	wrdreg $0xFFFFFFFF  }
0xad: {  	[dreg:$0x0] =	wrdreg $0x60  }
0xae: {  	[dreg:$0x2] =	wrdreg s24  }
0xaf: {  	[dreg:$0x3] =	wrdreg $0x9  }
0xb0: {  	_ =	task.clear_ibuf [dreg:s6], $0x4FFFF;
	_ =	strace $0x90000046  }
0xb1: {  	s29 =	simm.s32 $0x9;
	_ =	strace $0x80000048  }
0xb2: {  	_ =	swait.ge [sflag:s29], $0x1  }
0xb3: {  	[sflag:s29] =	ssyncadd.s32 $0xFFFFFFFF  }
0xb4: {  	_ =	strace $0x90000048  }
0xb5: {  	_ =	sfence  }
0xb6: {  	s30 =	sld [smem:$0x0];
	_ =	sdelay $0x2  }
0xb7: {  	s31 =	sshll.u32 s1, $0xD;
	s1 =	sshrl.u32 s1, $0x2  }
0xb8: {  	s3 =	sand.u32 $0x4000, s31;
	s1 =	sadd.s32 s1, s30  }
0xb9: {  	s0 =	sor.u32 s3, s0;
	s1 =	sshll.u32 s1, $0x11  }
0xba: {  	s0 =	sor.u32 s1, s0  }
0xbb: {  	s0 =	sadd.s32 $0x8F2B, s0  }
0xbc: {  	[sflag:s0] =	ssyncadd.remote.s32 $0x1  }
0xbd: {  	_ =	sfence.sel $0xFFFF  }
0xbe: {  	[dreg:$0x0] =	wrdreg $0xFFFFFFFF;
	(pc) =	sbr.abs _section_cstart, $3  }
0xbf: {  	[dreg:$0x1] =	wrdreg $0xFFFFFFFF  }
0xc0: {  	_ =	task.clear_ibuf [dreg:s6], $0x2FFFF;
	_ =	strace $0x9FFFFFFF  }
0xc1: {  	(tm) =	ssettm $0x7FFFFFFF  }
tec
execute0_lowered:
.L_overlay_start_1:
0x0: {  	(tag) =	ssettag $0x1  }
0x1: {  	v0 =	vimm.s32 $0xEFCDAB89  }
0x2: {  	v1 =	vimm.s32 $0x67452301;
	v2 =	vimm.s32 $0xDCFE98BA;
	v3 =	vimm.s32 $0x54761032  }
0x3: {  	v4 =	vimm.s32 $0xBA98FEDC;
	v5 =	vimm.s32 $0x32107654;
	v6 =	vimm.s32 $0xFEDCBA98  }
0x4: {  	s3 =	rddreg [dreg:$0x0];
	v7 =	vimm.s32 $0x76543210;
	v0 =	vunpack.c.l.s4.s8 v0;
	v1 =	vunpack.c.l.s4.s8 v1  }
0x5: {  	s0 =	rddreg [dreg:$0x1];
	s4 =	srdreg.scid;
	v2 =	vunpack.c.l.s4.s8 v2;
	v3 =	vunpack.c.l.s4.s8 v3;
	v4 =	vunpack.c.l.s4.s8 v4  }
0x6: {  	s2 =	simm.s32 $0x0;
	s1 =	stileid.u32;
	s4 =	sand.u32 $0x1, s4;
	v5 =	vunpack.c.l.s4.s8 v5;
	v6 =	vunpack.c.l.s4.s8 v6;
	v7 =	vunpack.c.l.s4.s8 v7  }
0x7: {  	[smem:$0x7FF] =	sst s2;
	s5 =	sshll.u32 s1, $0x6;
	s6 =	sshll.u32 s4, $0x5;
	v0 =	vunpack.c.0.s8.s32 v0;
	v1 =	vunpack.c.0.s8.s32 v1;
	v2 =	vunpack.c.0.s8.s32 v2  }
0x8: {  	s8 =	simm.s32 $0x0;
	_ =	strace $0x80000047;
	v3 =	vunpack.c.0.s8.s32 v3;
	s5 =	sor.u32 s6, s5;
	v4 =	vunpack.c.0.s8.s32 v4;
	v5 =	vunpack.c.0.s8.s32 v5  }
0x9: {  	s4 =	ssub.s32 $0x2, s4;
	v6 =	vunpack.c.0.s8.s32 v6;
	s6 =	sshll.u32 s5, $0x7;
	s5 =	sshll.u32 s5, $0x4;
	v1 =	vcombine.low v1, v0  }
0xa: {  	s7 =	sshrl.u32 s4, $0x1;
	v2 =	vcombine.low v3, v2;
	s6 =	sadd.s32 s6, s3;
	s5 =	sadd.s32 s5, s3;
	v3 =	vcombine.low v5, v4;
	v4 =	vunpack.c.0.s8.s32 v7  }
0xb: {  	s7 =	ssub.s32 s4, s7;
	v0 =	vimm.s32 $0x0;
	v5 =	vand.u32 $0xF, v6;
	s3 =	sadd.s32 $0xC00, s6;
	s4 =	sadd.s32 $0x20C00, s5;
	v1 =	vand.u32 $0xF, v1  }
0xc: {  	s5 =	smax.u32 s7, $0x1;
	s6 =	simm.s32 $0x1;
	s7 =	simm.s32 $0x8000;
	v2 =	vand.u32 $0xF, v2;
	v3 =	vand.u32 $0xF, v3;
	v4 =	vcombine.low v5, v4  }
.LBB2_1:
0xd: {  	[tilespmem:s2], [sflag:$0x1] =	stream.linear.gather [hbm4b:s3+s2], $0x8000, $0x38;
	[tilespmem:$0x9000] =	vst v63  }
0xe: {  	_ =	swait.ge [sflag:s6], $0x8000  }
0xf: {  	[sflag:s6] =	ssyncset.done $0x0  }
0x10: {  	s9 =	simm.s32 $0x0;
	[sflag:s6] =	ssyncadd.s32 $0xFFFF8000  }
.LBB2_2:
0x11: {  	s11 =	sshll.u32 s9, $0xA;
	s10 =	sshll.u32 s9, $0x7  }
0x12: {  	s11 =	sand.u32 $0x6000, s11;
	s12 =	sand.u32 $0x380, s10  }
0x13: {  	v5 =	vimm.f32 $-1.000000000e+00;
	v6 =	vimm.f32 $-1.000000000e+00;
	s13 =	simm.s32 $0x0;
	s11 =	sor.u32 s12, s11;
	s12 =	simm.s32 $0x0  }
.LBB2_3:
0x14: {  	s14 =	sand.u32 $0x1C00, s12  }
0x15: {  	s15 =	sand.u32 $0x70, s12;
	s14 =	sadd.s32 s14, s11  }
0x16: {  	s15 =	sadd.s32 s15, s14  }
0x17: {  	v9 =	vld [tilespmem:s15+$0x0]  }
0x18: {  	v7 =	vimm.f32 $3.000000010e+38;
	v8 =	vimm.s32 $0x0;
	s14 =	simm.s32 $0x10;
	s15 =	simm.s32 $0x80  }
.LBB2_4:
0x19: {  	s16 =	sand.u32 $0x1C00, s15  }
0x1a: {  	p0 =	sne.s32 s14, $0x3F0;
	s17 =	smov.u32 s14;
	s14 =	sadd.s32 $0x10, s14  }
.Ltmp0:
0x1b: {  	s17 =	sand.u32 $0x70, s17;
	s16 =	sadd.s32 s16, s11;
	(pc) =	sbr.rel @p0 .LBB2_4-.Ltmp0, $4  }
0x1c: {  	s16 =	sadd.s32 s17, s16;
	vm0 =	vgt.f32 v9, v6  }
0x1d: {  	v10 =	vnsel vm0, $0x7F61B1E6, v9;
	v9 =	vld [tilespmem:s16+$0x0];
	v11 =	vsel vm0, $0x1, v0  }
0x1e: {  	v7 =	vmin.f32 v7, v10;
	v8 =	vadd.s32 v11, v8  }
0x1f: {  	s15 =	sadd.s32 $0x80, s15  }
0x20: {  	_ =	sdelay $0x1  }
0x21: {  	vm0 =	vgt.f32 v9, v6  }
0x22: {  	v6 =	vsel vm0, $0x1, v0  }
0x23: {  	v6 =	vadd.s32 v6, v8  }
0x24: {  	v8 =	vnsel vm0, $0x7F61B1E6, v9;
	v63 =	vperm.xlane v6, v1  }
0x25: {  	v7 =	vmin.f32 v7, v8  }
0x26: {  	v8 =	vperm.xlane v7, v1;
	v6 =	vadd.s32 v6, v63  }
0x27: {  	v9 =	vperm.xlane v6, v2  }
0x28: {  	v7 =	vmin.f32 v7, v8  }
0x29: {  	v8 =	vperm.xlane v7, v2;
	v6 =	vadd.s32 v9, v6  }
0x2a: {  	v9 =	vperm.xlane v6, v3  }
0x2b: {  	v7 =	vmin.f32 v7, v8  }
0x2c: {  	s13 =	sadd.s32 $0x1, s13;
	v8 =	vperm.xlane v7, v3;
	v6 =	vadd.s32 v9, v6  }
0x2d: {  	p0 =	sne.s32 s13, $0x1A;
	v9 =	vperm.xlane v6, v4  }
.Ltmp1:
0x2e: {  	v7 =	vmin.f32 v7, v8;
	(pc) =	sbr.rel @p0 .LBB2_3-.Ltmp1, $4  }
0x2f: {  	v8 =	vperm.xlane v7, v4;
	v6 =	vadd.s32 v6, v9  }
0x30: {  	v9 =	vadd.s32 $0xFFFFFBFF, v6  }
0x31: {  	v6 =	vmin.f32 v7, v8;
	vm15 =	vgt.s32 v9, $0xFFFFFFE5  }
0x32: {  	v5 =	vsel vm15, v6, v5  }
0x33: {  	s9 =	sadd.s32 $0x1, s9  }
0x34: {  	p0 =	sne.s32 s9, $0x20  }
.Ltmp2:
0x35: {  	_ = 	snop;
	(pc) =	sbr.rel @p0 .LBB2_2-.Ltmp2, $3  }
0x36: {  	_ =	sdelay $0x1  }
0x37: {  	s10 =	sand.u32 $0x3FFFFF80, s10  }
0x38: {  	[tilespmem:s10+$0x8000] =	vst v5  }
0x39: {  	s8 =	sadd.s32 $0x1, s8  }
0x3a: {  	p0 =	sne.s32 s8, s5  }
.Ltmp3:
0x3b: {  	_ = 	snop;
	(pc) =	sbr.rel @p0 .LBB2_1-.Ltmp3, $4  }
0x3c: {  	[hbm4b:s4+s2] =	stream.linear.scatter [tilespmem:s7], [sflag:$0x1], $0x1000, $0x38;
	[tilespmem:$0x9000] =	vst v63  }
0x3d: {  	_ =	swait.ge [sflag:s6], $0x1000  }
0x3e: {  	[sflag:s6] =	ssyncset.done $0x0  }
0x3f: {  	[sflag:s6] =	ssyncadd.s32 $0xFFFFF000  }
0x40: {  	_ =	sfence.sel $0x180000  }
0x41: {  	[bflag:$0x0] =	sbarrier.arrive $0xFFFF  }
0x42: {  	p0 =	sne.s32 s1, $0x0;
	_ =	strace $0x90000047  }
0x43: {  	s0 =	sadd.s32 @!p0 $0x100000, s0;
	[bflag:$0x2] =	sbarrier.arrive $0xFFFF  }
0x44: {  	[sflag:s0] =	ssyncadd.tile.s32 @!p0 $0x1;
	_ =	shalt  }
.Lfunc_end2:
_tile_overlayer_lowered:
.L_overlay_start_2:
0x45: {  	(tag) =	ssettag $0x2  }
0x46: {  	s0 =	rddreg [dreg:$0x0];
	s2 =	stileid.u32  }
0x47: {  	s1 =	rddreg [dreg:$0x1];
	p0 =	sne.s32 s2, $0x0  }
0x48: {  	s3 =	rddreg [dreg:$0x2];
	[bflag:$0x3] =	sbarrier.arrive $0xFFFF;
	s2 =	simm.s32 @!p0 $0x1C01  }
0x49: {  	[timem:s3], [sflag:s2] =	dma.local @!p0 [hbm:s0], s1  }
0x4a: {  	s0 =	simm.s32 @!p0 $0x1  }
0x4b: {  	_ =	swait.ge @!p0 [sflag:s0], s1  }
0x4c: {  	s1 =	ssub.s32 @!p0 $0x0, s1;
	[sflag:s0] =	ssyncset.done @!p0 $0x0  }
0x4d: {  	[sflag:s0] =	ssyncadd.s32 @!p0 s1  }
0x4e: {  	[bflag:$0x3] =	sbarrier.arrive $0xFFFF  }
0x4f: {  	_ =	shalt  }

</sc_bundles>
